<compile_context>
chip_gen: v7x
topology: tpu7x:2x2x1
jax: 0.10.2.dev20260603
libtpu: 0.0.44.dev20260713+nightly
codegen_flags: <defaults>
</compile_context>

<pallas_src>
import functools

import jax
import jax.numpy as jnp
from jax import lax
from jax.experimental import pallas as pl
from jax.experimental.pallas import tpu as pltpu
from jax.experimental.pallas import tpu_sc as plsc

N_NODES = 10000
N_PAD = 10112
N_CH = 128
LANES = 16
NC = 2
NS = 16
NW = NC * NS
EDGE_BATCH = 128


def _spmm_sc(x, col, row, w, zeros):
    e_total = col.shape[0]
    per_tile = e_total // NW
    batches = per_tile // EDGE_BATCH
    rows_per_tile = N_PAD // NS

    mesh = plsc.VectorSubcoreMesh(core_axis_name="c", subcore_axis_name="s")

    @functools.partial(
        pl.kernel,
        mesh=mesh,
        compiler_params=pltpu.CompilerParams(use_tc_tiling_on_sc=False),
        out_type=jax.ShapeDtypeStruct((NC, N_PAD, N_CH), jnp.float32),
        scratch_types=[
            pltpu.VMEM((10240,), jnp.int32),
            pltpu.VMEM((EDGE_BATCH,), jnp.int32),
            pltpu.VMEM((EDGE_BATCH,), jnp.float32),
            pltpu.VMEM((EDGE_BATCH,), jnp.float32),
            pltpu.VMEM((EDGE_BATCH, N_CH // 2), jnp.int32),
            pltpu.VMEM((EDGE_BATCH, N_CH // 2), jnp.int32),
            pltpu.VMEM_SHARED((N_PAD, N_CH), jnp.float32),
            pltpu.SemaphoreType.DMA,
            pltpu.SemaphoreType.DMA,
        ],
    )
    def spmm(x_hbm, col_hbm, row_hbm, w_hbm, z_hbm, out_hbm,
             col_v, row_v, w_a, w_b, g_a, g_b, acc, sem_a, sem_b):
        gbufs = (g_a, g_b)
        gsems = (sem_a, sem_b)
        wbufs = (w_a, w_b)
        c = lax.axis_index("c")
        s = lax.axis_index("s")
        tid = c * NS + s

        pltpu.sync_copy(z_hbm.at[pl.ds(s * rows_per_tile, rows_per_tile)],
                        acc.at[pl.ds(s * rows_per_tile, rows_per_tile)])
        plsc.subcore_barrier()

        base0 = tid * per_tile
        pltpu.sync_copy(col_hbm.at[pl.ds(base0, per_tile)], col_v)

        for h in range(2):
            pltpu.async_copy(
                x_hbm.at[col_v.at[pl.ds(h * EDGE_BATCH, EDGE_BATCH)]],
                gbufs[h], gsems[h])

        def body(i, carry):
            for h in range(2):
                b = i * 2 + h
                rows_v = gbufs[h]
                sem = gsems[h]
                w_v = wbufs[h]
                off = pl.multiple_of(b * EDGE_BATCH, EDGE_BATCH)
                base = pl.multiple_of(base0 + b * EDGE_BATCH, EDGE_BATCH)
                pltpu.make_async_copy(
                    x_hbm.at[col_v.at[pl.ds(off, EDGE_BATCH)]],
                    rows_v, sem).wait()

                def scale(g, carry2):
                    wvec = w_v[pl.ds(g * LANES, LANES)]
                    for l in range(LANES):
                        wj = wvec[l]
                        j = g * LANES + l
                        for kk in range(N_CH // LANES):
                            sl = (j, pl.ds(kk * LANES, LANES))
                            rows_v[sl] = rows_v[sl] * wj
                    return carry2


                @pl.when(i < (batches // 2) - 1)
                def _():
                    off2 = pl.multiple_of((b + 2) * EDGE_BATCH, EDGE_BATCH)
                    pltpu.async_copy(
                        x_hbm.at[col_v.at[pl.ds(off2, EDGE_BATCH)]],
                        rows_v, sem)
            return carry

        lax.fori_loop(0, batches // 2, body, 0)
        plsc.subcore_barrier()
        pltpu.sync_copy(acc.at[pl.ds(s * rows_per_tile, rows_per_tile)],
                        out_hbm.at[c, pl.ds(s * rows_per_tile, rows_per_tile)])

    return spmm(x, col, row, w, zeros)


def _combine_tc(p, W, bias, a):
    BLK = 400

    def body(p_ref, w_ref, b_ref, a_ref, o_ref):
        s = p_ref[0] + p_ref[1]
        y = lax.dot_general(s, w_ref[...], (((1,), (1,)), ((), ())),
                            preferred_element_type=jnp.float32)
        y = y + b_ref[...]
        alpha = a_ref[0]
        o_ref[...] = jnp.where(y >= 0, y, alpha * y)

    return pl.pallas_call(
        body,
        grid=(N_NODES // BLK,),
        in_specs=[
            pl.BlockSpec((2, BLK, N_CH), lambda i: (0, i, 0)),
            pl.BlockSpec((N_CH, N_CH), lambda i: (0, 0)),
            pl.BlockSpec((1, N_CH), lambda i: (0, 0)),
            pl.BlockSpec(memory_space=pltpu.SMEM),
        ],
        out_specs=pl.BlockSpec((BLK, N_CH), lambda i: (i, 0)),
        out_shape=jax.ShapeDtypeStruct((N_NODES, N_CH), jnp.float32),
    )(p, W, bias.reshape(1, N_CH), a.reshape(1))


def kernel(x, edge_index, edge_weight, W, bias, prelu_a):
    row = edge_index[0].astype(jnp.int32)
    col = edge_index[1].astype(jnp.int32)
    w = edge_weight.astype(jnp.float32)
    e = row.shape[0]
    chunk = NW * EDGE_BATCH * 2
    e_pad = ((e + chunk - 1) // chunk) * chunk
    pad = e_pad - e
    if pad:
        row = jnp.concatenate([row, jnp.zeros((pad,), jnp.int32)])
        col = jnp.concatenate([col, jnp.zeros((pad,), jnp.int32)])
        w = jnp.concatenate([w, jnp.zeros((pad,), jnp.float32)])
    zeros = jnp.zeros((N_PAD, N_CH), jnp.float32)
    xp = lax.bitcast_convert_type(x.astype(jnp.bfloat16).reshape(N_NODES, N_CH // 2, 2), jnp.int32)
    p = _spmm_sc(xp, col, row, w, zeros)
    return _combine_tc(p, W, bias, prelu_a)

# --- scband reference (transcript-rebuilt; emitter-appended) ---
"""Pipeline reference for scband-dgigcn-8211977470552 (READ-ONLY COPY).

The authoritative reference and input builder live on the scoring server;
editing this copy changes nothing except your own understanding.
"""

import jax, jax.numpy as jnp
import numpy as np

N_NODES = 10000
N_EDGES = 320000
IN_CH = 128
HID_CH = 128


def setup_inputs(seed: int = 0) -> dict:
    key = jax.random.key(seed)
    k1, k2, k3, k4 = jax.random.split(key, 4)
    x = jax.random.normal(k1, (N_NODES, IN_CH), dtype=jnp.float32)
    edge_index = jax.random.randint(k2, (2, N_EDGES), 0, N_NODES, dtype=jnp.int64)
    edge_weight = jax.random.uniform(k3, (N_EDGES,), dtype=jnp.float32)
    # fc weight, xavier-uniform like torch, shape [hidden, in] (torch Linear convention)
    limit = float(np.sqrt(6.0 / (IN_CH + HID_CH)))
    W = jax.random.uniform(k4, (HID_CH, IN_CH), dtype=jnp.float32, minval=-limit, maxval=limit)
    bias = jnp.zeros((HID_CH,), dtype=jnp.float32)  # bias.data.fill_(0.0)
    prelu_a = jnp.asarray(0.25, dtype=jnp.float32)  # torch.nn.PReLU() default single param
    return {"x": x, "edge_index": edge_index, "edge_weight": edge_weight,
            "W": W, "bias": bias, "prelu_a": prelu_a}


def reference(x, edge_index, edge_weight, W, bias, prelu_a):
    # x_fts = self.fc(x)  (Linear, no bias)
    x_fts = x @ W.T
    # out = torch.spmm(adj, x_fts) with sparse adj given by (edge_index, edge_weight)
    # out[i] = sum_{e: row[e]==i} edge_weight[e] * x_fts[col[e]]
    row = edge_index[0]
    col = edge_index[1]
    msgs = edge_weight[:, None] * jnp.take(x_fts, col, axis=0)
    out = jax.ops.segment_sum(msgs, row, num_segments=N_NODES)
    # out += self.bias
    out = out + bias
    # self.act(out) -> PReLU
    return jnp.where(out >= 0, out, prelu_a * out)

if __name__ == "__main__":
    import jax
    _d = setup_inputs()
    print(jax.jit(kernel)(*tuple(_d.values())))

</pallas_src>

<mosaic_0001>
#map = affine_map<(d0, d1) -> (0, 0)>
#map1 = affine_map<(d0, d1) -> (0)>
#map2 = affine_map<(d0, d1) -> (0, 0, 0)>
module attributes {stable_mosaic.version = 14 : i64} {
  func.func @spmm(%arg0: i32, %arg1: i32, %arg2: memref<10000x64xi32, #tpu.memory_space<hbm>>, %arg3: memref<327680xi32, #tpu.memory_space<hbm>>, %arg4: memref<327680xi32, #tpu.memory_space<hbm>>, %arg5: memref<327680xf32, #tpu.memory_space<hbm>>, %arg6: memref<10112x128xf32, #tpu.memory_space<hbm>>, %arg7: memref<2x10112x128xf32, #tpu.memory_space<hbm>>, %arg8: memref<10240xi32, #tpu.memory_space<vmem>>, %arg9: memref<128xi32, #tpu.memory_space<vmem>>, %arg10: memref<128xf32, #tpu.memory_space<vmem>>, %arg11: memref<128xf32, #tpu.memory_space<vmem>>, %arg12: memref<128x64xi32, #tpu.memory_space<vmem>>, %arg13: memref<128x64xi32, #tpu.memory_space<vmem>>, %arg14: memref<10112x128xf32, #tpu.memory_space<vmem_shared>>, %arg15: memref<!tpu.dma_semaphore, #tpu.memory_space<semaphore_mem>>, %arg16: memref<!tpu.dma_semaphore, #tpu.memory_space<semaphore_mem>>) attributes {dimension_semantics = [#tpu.dimension_semantics<core_parallel>, #tpu.dimension_semantics<subcore_parallel>], iteration_bounds = array<i64: 2, 16>, scalar_prefetch = 0 : i64, scratch_operands = 9 : i64, tpu.core_type = #tpu.core_type<sc_vector_subcore>, window_params = [{transform_indices = #map}, {transform_indices = #map1}, {transform_indices = #map1}, {transform_indices = #map1}, {transform_indices = #map}, {transform_indices = #map2}]} {
    %mul3A = arith.constant 16 : i32
    %mul3A_0 = arith.muli %arg0, %mul3A : i32
    %add3A = arith.addi %mul3A_0, %arg1 : i32
    %mul3A_1 = arith.constant 632 : i32
    %mul3A_2 = arith.muli %arg1, %mul3A_1 : i32
    %mul3A_3 = arith.constant 632 : i32
    %mul3A_4 = arith.muli %arg1, %mul3A_3 : i32
    "tpu.region"() ({
      %run_scoped3A = tpu.sem_alloc : memref<!tpu.dma_semaphore, #tpu.memory_space<semaphore_mem>>
      %dma_start3A_26 = arith.constant 0 : i32
      %dma_start3A_27 = tpu.memref_slice %arg14[%mul3A_4, %dma_start3A_26] : memref<10112x128xf32, #tpu.memory_space<vmem_shared>> -> memref<632x128xf32, #tpu.memory_space<vmem_shared>>
      %dma_start3A_28 = arith.constant 0 : i32
      %dma_start3A_29 = tpu.memref_slice %arg6[%mul3A_2, %dma_start3A_28] : memref<10112x128xf32, #tpu.memory_space<hbm>> -> memref<632x128xf32, #tpu.memory_space<hbm>>
      tpu.enqueue_dma source(%dma_start3A_29 : memref<632x128xf32, #tpu.memory_space<hbm>>) target(%dma_start3A_27 : memref<632x128xf32, #tpu.memory_space<vmem_shared>>) target_semaphore(%run_scoped3A : memref<!tpu.dma_semaphore, #tpu.memory_space<semaphore_mem>>)
      %dma_wait3A = arith.constant 0 : i32
      %dma_wait3A_30 = tpu.memref_slice %arg14[%mul3A_4, %dma_wait3A] : memref<10112x128xf32, #tpu.memory_space<vmem_shared>> -> memref<632x128xf32, #tpu.memory_space<vmem_shared>>
      %dma_wait3A_31 = arith.constant 0 : i32
      %dma_wait3A_32 = tpu.memref_slice %arg6[%mul3A_2, %dma_wait3A_31] : memref<10112x128xf32, #tpu.memory_space<hbm>> -> memref<632x128xf32, #tpu.memory_space<hbm>>
      tpu.wait_dma2 semaphore(%run_scoped3A : memref<!tpu.dma_semaphore, #tpu.memory_space<semaphore_mem>>) src(%dma_wait3A_32 : memref<632x128xf32, #tpu.memory_space<hbm>>) dst(%dma_wait3A_30 : memref<632x128xf32, #tpu.memory_space<vmem_shared>>)
      tpu.yield
    }) : () -> ()
    %barrier3A = arith.constant 0 : index
    tpu.barrier barrier_id(%barrier3A)
    %mul3A_5 = arith.constant 10240 : i32
    %mul3A_6 = arith.muli %add3A, %mul3A_5 : i32
    "tpu.region"() ({
      %run_scoped3A = tpu.sem_alloc : memref<!tpu.dma_semaphore, #tpu.memory_space<semaphore_mem>>
      %dma_start3A_26 = tpu.memref_slice %arg3[%mul3A_6] : memref<327680xi32, #tpu.memory_space<hbm>> -> memref<10240xi32, #tpu.memory_space<hbm>>
      %dma_start3A_27 = tpu.memref_slice %arg3[%mul3A_6] : memref<327680xi32, #tpu.memory_space<hbm>> -> memref<10240xi32, #tpu.memory_space<hbm>>
      tpu.enqueue_dma source(%dma_start3A_27 : memref<10240xi32, #tpu.memory_space<hbm>>) target(%arg8 : memref<10240xi32, #tpu.memory_space<vmem>>) target_semaphore(%run_scoped3A : memref<!tpu.dma_semaphore, #tpu.memory_space<semaphore_mem>>)
      %dma_wait3A = tpu.memref_slice %arg3[%mul3A_6] : memref<327680xi32, #tpu.memory_space<hbm>> -> memref<10240xi32, #tpu.memory_space<hbm>>
      %dma_wait3A_28 = tpu.memref_slice %arg3[%mul3A_6] : memref<327680xi32, #tpu.memory_space<hbm>> -> memref<10240xi32, #tpu.memory_space<hbm>>
      tpu.wait_dma2 semaphore(%run_scoped3A : memref<!tpu.dma_semaphore, #tpu.memory_space<semaphore_mem>>) src(%dma_wait3A_28 : memref<10240xi32, #tpu.memory_space<hbm>>) dst(%arg8 : memref<10240xi32, #tpu.memory_space<vmem>>)
      tpu.yield
    }) : () -> ()
    %dma_start3A = arith.constant 0 : i32
    %dma_start3A_7 = tpu.memref_slice %arg8[%dma_start3A] : memref<10240xi32, #tpu.memory_space<vmem>> -> memref<128xi32, #tpu.memory_space<vmem>>
    %dma_start3A_8 = arith.constant 0 : i32
    %dma_start3A_9 = arith.constant 0 : i32
    %dma_start3A_10 = tpu.memref_slice %arg2[%dma_start3A_8, %dma_start3A_9] : memref<10000x64xi32, #tpu.memory_space<hbm>> -> memref<10000x64xi32, #tpu.memory_space<hbm>>
    tpu.enqueue_indirect_dma source(%dma_start3A_10 : memref<10000x64xi32, #tpu.memory_space<hbm>>) target(%arg12 : memref<128x64xi32, #tpu.memory_space<vmem>>) offsets(%dma_start3A_7 : memref<128xi32, #tpu.memory_space<vmem>>) semaphore(%arg15 : memref<!tpu.dma_semaphore, #tpu.memory_space<semaphore_mem>>)
    %dma_start3A_11 = arith.constant 128 : i32
    %dma_start3A_12 = tpu.memref_slice %arg8[%dma_start3A_11] : memref<10240xi32, #tpu.memory_space<vmem>> -> memref<128xi32, #tpu.memory_space<vmem>>
    %dma_start3A_13 = arith.constant 0 : i32
    %dma_start3A_14 = arith.constant 0 : i32
    %dma_start3A_15 = tpu.memref_slice %arg2[%dma_start3A_13, %dma_start3A_14] : memref<10000x64xi32, #tpu.memory_space<hbm>> -> memref<10000x64xi32, #tpu.memory_space<hbm>>
    tpu.enqueue_indirect_dma source(%dma_start3A_15 : memref<10000x64xi32, #tpu.memory_space<hbm>>) target(%arg13 : memref<128x64xi32, #tpu.memory_space<vmem>>) offsets(%dma_start3A_12 : memref<128xi32, #tpu.memory_space<vmem>>) semaphore(%arg16 : memref<!tpu.dma_semaphore, #tpu.memory_space<semaphore_mem>>)
    %scan3A = arith.constant 0 : i32
    %scan3A_16 = arith.constant 0 : i32
    %scan3A_17 = arith.constant 40 : i32
    %scan3A_18 = arith.addi %scan3A_16, %scan3A_17 : i32
    %scan3A_19 = arith.constant 1 : i32
    scf.for %scan3A_26 = %scan3A_16 to %scan3A_18 step %scan3A_19  : i32 {
      %mul3A_27 = arith.constant 2 : i32
      %mul3A_28 = arith.muli %scan3A_26, %mul3A_27 : i32
      %add3A_29 = arith.constant 0 : i32
      %add3A_30 = arith.addi %mul3A_28, %add3A_29 : i32
      %mul3A_31 = arith.constant 128 : i32
      %mul3A_32 = arith.muli %add3A_30, %mul3A_31 : i32
      %multiple_of3A = tpu.assume_multiple %mul3A_32, 128 : i32
      %mul3A_33 = arith.constant 128 : i32
      %mul3A_34 = arith.muli %add3A_30, %mul3A_33 : i32
      %add3A_35 = arith.addi %mul3A_6, %mul3A_34 : i32
      %multiple_of3A_36 = tpu.assume_multiple %add3A_35, 128 : i32
      %dma_wait3A = tpu.memref_slice %arg8[%multiple_of3A] : memref<10240xi32, #tpu.memory_space<vmem>> -> memref<128xi32, #tpu.memory_space<vmem>>
      %dma_wait3A_37 = arith.constant 0 : i32
      %dma_wait3A_38 = arith.constant 0 : i32
      %dma_wait3A_39 = tpu.memref_slice %arg2[%dma_wait3A_37, %dma_wait3A_38] : memref<10000x64xi32, #tpu.memory_space<hbm>> -> memref<10000x64xi32, #tpu.memory_space<hbm>>
      tpu.wait_indirect_dma semaphore(%arg15 : memref<!tpu.dma_semaphore, #tpu.memory_space<semaphore_mem>>) src(%dma_wait3A_39 : memref<10000x64xi32, #tpu.memory_space<hbm>>) dst(%arg12 : memref<128x64xi32, #tpu.memory_space<vmem>>)
      %lt3A = arith.constant 39 : i32
      %lt3A_40 = arith.cmpi slt, %scan3A_26, %lt3A : i32
      %convert_element_type3A = arith.extui %lt3A_40 : i1 to i32
      %cond3A = arith.constant 0 : i32
      %cond3A_41 = arith.cmpi ne, %convert_element_type3A, %cond3A : i32
      scf.if %cond3A_41 {
        %add3A_62 = arith.constant 2 : i32
        %add3A_63 = arith.addi %add3A_30, %add3A_62 : i32
        %mul3A_64 = arith.constant 128 : i32
        %mul3A_65 = arith.muli %add3A_63, %mul3A_64 : i32
        %multiple_of3A_66 = tpu.assume_multiple %mul3A_65, 128 : i32
        %dma_start3A_67 = tpu.memref_slice %arg8[%multiple_of3A_66] : memref<10240xi32, #tpu.memory_space<vmem>> -> memref<128xi32, #tpu.memory_space<vmem>>
        %dma_start3A_68 = arith.constant 0 : i32
        %dma_start3A_69 = arith.constant 0 : i32
        %dma_start3A_70 = tpu.memref_slice %arg2[%dma_start3A_68, %dma_start3A_69] : memref<10000x64xi32, #tpu.memory_space<hbm>> -> memref<10000x64xi32, #tpu.memory_space<hbm>>
        tpu.enqueue_indirect_dma source(%dma_start3A_70 : memref<10000x64xi32, #tpu.memory_space<hbm>>) target(%arg12 : memref<128x64xi32, #tpu.memory_space<vmem>>) offsets(%dma_start3A_67 : memref<128xi32, #tpu.memory_space<vmem>>) semaphore(%arg15 : memref<!tpu.dma_semaphore, #tpu.memory_space<semaphore_mem>>)
      } else {
      }
      %mul3A_42 = arith.constant 2 : i32
      %mul3A_43 = arith.muli %scan3A_26, %mul3A_42 : i32
      %add3A_44 = arith.constant 1 : i32
      %add3A_45 = arith.addi %mul3A_43, %add3A_44 : i32
      %mul3A_46 = arith.constant 128 : i32
      %mul3A_47 = arith.muli %add3A_45, %mul3A_46 : i32
      %multiple_of3A_48 = tpu.assume_multiple %mul3A_47, 128 : i32
      %mul3A_49 = arith.constant 128 : i32
      %mul3A_50 = arith.muli %add3A_45, %mul3A_49 : i32
      %add3A_51 = arith.addi %mul3A_6, %mul3A_50 : i32
      %multiple_of3A_52 = tpu.assume_multiple %add3A_51, 128 : i32
      %dma_wait3A_53 = tpu.memref_slice %arg8[%multiple_of3A_48] : memref<10240xi32, #tpu.memory_space<vmem>> -> memref<128xi32, #tpu.memory_space<vmem>>
      %dma_wait3A_54 = arith.constant 0 : i32
      %dma_wait3A_55 = arith.constant 0 : i32
      %dma_wait3A_56 = tpu.memref_slice %arg2[%dma_wait3A_54, %dma_wait3A_55] : memref<10000x64xi32, #tpu.memory_space<hbm>> -> memref<10000x64xi32, #tpu.memory_space<hbm>>
      tpu.wait_indirect_dma semaphore(%arg16 : memref<!tpu.dma_semaphore, #tpu.memory_space<semaphore_mem>>) src(%dma_wait3A_56 : memref<10000x64xi32, #tpu.memory_space<hbm>>) dst(%arg13 : memref<128x64xi32, #tpu.memory_space<vmem>>)
      %lt3A_57 = arith.constant 39 : i32
      %lt3A_58 = arith.cmpi slt, %scan3A_26, %lt3A_57 : i32
      %convert_element_type3A_59 = arith.extui %lt3A_58 : i1 to i32
      %cond3A_60 = arith.constant 0 : i32
      %cond3A_61 = arith.cmpi ne, %convert_element_type3A_59, %cond3A_60 : i32
      scf.if %cond3A_61 {
        %add3A_62 = arith.constant 2 : i32
        %add3A_63 = arith.addi %add3A_45, %add3A_62 : i32
        %mul3A_64 = arith.constant 128 : i32
        %mul3A_65 = arith.muli %add3A_63, %mul3A_64 : i32
        %multiple_of3A_66 = tpu.assume_multiple %mul3A_65, 128 : i32
        %dma_start3A_67 = tpu.memref_slice %arg8[%multiple_of3A_66] : memref<10240xi32, #tpu.memory_space<vmem>> -> memref<128xi32, #tpu.memory_space<vmem>>
        %dma_start3A_68 = arith.constant 0 : i32
        %dma_start3A_69 = arith.constant 0 : i32
        %dma_start3A_70 = tpu.memref_slice %arg2[%dma_start3A_68, %dma_start3A_69] : memref<10000x64xi32, #tpu.memory_space<hbm>> -> memref<10000x64xi32, #tpu.memory_space<hbm>>
        tpu.enqueue_indirect_dma source(%dma_start3A_70 : memref<10000x64xi32, #tpu.memory_space<hbm>>) target(%arg13 : memref<128x64xi32, #tpu.memory_space<vmem>>) offsets(%dma_start3A_67 : memref<128xi32, #tpu.memory_space<vmem>>) semaphore(%arg16 : memref<!tpu.dma_semaphore, #tpu.memory_space<semaphore_mem>>)
      } else {
      }
    }
    %scan3A_20 = arith.constant 40 : i32
    %barrier3A_21 = arith.constant 0 : index
    tpu.barrier barrier_id(%barrier3A_21)
    %mul3A_22 = arith.constant 632 : i32
    %mul3A_23 = arith.muli %arg1, %mul3A_22 : i32
    %mul3A_24 = arith.constant 632 : i32
    %mul3A_25 = arith.muli %arg1, %mul3A_24 : i32
    "tpu.region"() ({
      %run_scoped3A = tpu.sem_alloc : memref<!tpu.dma_semaphore, #tpu.memory_space<semaphore_mem>>
      %dma_start3A_26 = arith.constant 0 : i32
      %dma_start3A_27 = tpu.memref_slice %arg7[%arg0, %mul3A_25, %dma_start3A_26] : memref<2x10112x128xf32, #tpu.memory_space<hbm>> -> memref<1x632x128xf32, #tpu.memory_space<hbm>>
      %dma_start3A_28 = tpu.memref_squeeze %dma_start3A_27 : memref<1x632x128xf32, #tpu.memory_space<hbm>> -> memref<632x128xf32, #tpu.memory_space<hbm>>
      %dma_start3A_29 = arith.constant 0 : i32
      %dma_start3A_30 = tpu.memref_slice %arg14[%mul3A_23, %dma_start3A_29] : memref<10112x128xf32, #tpu.memory_space<vmem_shared>> -> memref<632x128xf32, #tpu.memory_space<vmem_shared>>
      tpu.enqueue_dma source(%dma_start3A_30 : memref<632x128xf32, #tpu.memory_space<vmem_shared>>) target(%dma_start3A_28 : memref<632x128xf32, #tpu.memory_space<hbm>>) target_semaphore(%run_scoped3A : memref<!tpu.dma_semaphore, #tpu.memory_space<semaphore_mem>>)
      %dma_wait3A = arith.constant 0 : i32
      %dma_wait3A_31 = tpu.memref_slice %arg7[%arg0, %mul3A_25, %dma_wait3A] : memref<2x10112x128xf32, #tpu.memory_space<hbm>> -> memref<1x632x128xf32, #tpu.memory_space<hbm>>
      %dma_wait3A_32 = tpu.memref_squeeze %dma_wait3A_31 : memref<1x632x128xf32, #tpu.memory_space<hbm>> -> memref<632x128xf32, #tpu.memory_space<hbm>>
      %dma_wait3A_33 = arith.constant 0 : i32
      %dma_wait3A_34 = tpu.memref_slice %arg14[%mul3A_23, %dma_wait3A_33] : memref<10112x128xf32, #tpu.memory_space<vmem_shared>> -> memref<632x128xf32, #tpu.memory_space<vmem_shared>>
      tpu.wait_dma2 semaphore(%run_scoped3A : memref<!tpu.dma_semaphore, #tpu.memory_space<semaphore_mem>>) src(%dma_wait3A_34 : memref<632x128xf32, #tpu.memory_space<vmem_shared>>) dst(%dma_wait3A_32 : memref<632x128xf32, #tpu.memory_space<hbm>>)
      tpu.yield
    }) : () -> ()
    return
  }
}

module attributes {stable_mosaic.version = 14 : i64} {
  func.func @body(%arg0: i32, %arg1: memref<2x400x128xf32, #tpu.memory_space<vmem>>, %arg2: memref<128x128xf32, #tpu.memory_space<vmem>>, %arg3: memref<1x128xf32, #tpu.memory_space<vmem>>, %arg4: memref<1xf32, #tpu.memory_space<smem>>, %arg5: memref<400x128xf32, #tpu.memory_space<vmem>>) attributes {dimension_semantics = [#tpu.dimension_semantics<arbitrary>], iteration_bounds = array<i64: 25>, scalar_prefetch = 0 : i64, scratch_operands = 0 : i64, tpu.core_type = #tpu.core_type<tc>, window_params = [{transform_indices = @transform_0, window_bounds = array<i64: 2, 400, 128>}, {pipeline_mode = #tpu.pipeline_mode<synchronous>, transform_indices = @transform_1, window_bounds = array<i64: 128, 128>}, {pipeline_mode = #tpu.pipeline_mode<synchronous>, transform_indices = @transform_2, window_bounds = array<i64: 1, 128>}, {transform_indices = @transform_3, window_bounds = array<i64: 1>}, {transform_indices = @transform_4, window_bounds = array<i64: 400, 128>}]} {
    %get3A = arith.constant 0 : index
    %get3A_0 = arith.constant 0 : index
    %get3A_1 = arith.constant 0 : index
    %get3A_2 = vector.load %arg1[%get3A, %get3A_0, %get3A_1] : memref<2x400x128xf32, #tpu.memory_space<vmem>>, vector<1x400x128xf32>
    %get3A_3 = vector.shape_cast %get3A_2 : vector<1x400x128xf32> to vector<400x128xf32>
    %get3A_4 = arith.constant 1 : index
    %get3A_5 = arith.constant 0 : index
    %get3A_6 = arith.constant 0 : index
    %get3A_7 = vector.load %arg1[%get3A_4, %get3A_5, %get3A_6] : memref<2x400x128xf32, #tpu.memory_space<vmem>>, vector<1x400x128xf32>
    %get3A_8 = vector.shape_cast %get3A_7 : vector<1x400x128xf32> to vector<400x128xf32>
    %add3A = arith.addf %get3A_3, %get3A_8 : vector<400x128xf32>
    %get3A_9 = arith.constant 0 : index
    %get3A_10 = arith.constant 0 : index
    %get3A_11 = vector.load %arg2[%get3A_9, %get3A_10] : memref<128x128xf32, #tpu.memory_space<vmem>>, vector<128x128xf32>
    %dot_general3A = arith.constant dense<0.000000e+00> : vector<400x128xf32>
    %dot_general3A_12 = tpu.matmul %add3A, %get3A_11, %dot_general3A {dimension_numbers = #tpu.dot_dimension_numbers<[1], [1], [0], [0], [0, 0, 1, 0], [], []>, transpose_lhs_hint = false} : vector<400x128xf32>, vector<128x128xf32>, vector<400x128xf32> -> vector<400x128xf32>
    %get3A_13 = arith.constant 0 : index
    %get3A_14 = arith.constant 0 : index
    %get3A_15 = vector.load %arg3[%get3A_13, %get3A_14] : memref<1x128xf32, #tpu.memory_space<vmem>>, vector<1x128xf32>
    %add3A_16 = vector.broadcast %get3A_15 : vector<1x128xf32> to vector<400x128xf32>
    %add3A_17 = arith.addf %dot_general3A_12, %add3A_16 : vector<400x128xf32>
    %get3A_18 = arith.constant 0 : index
    %get3A_19 = memref.load %arg4[%get3A_18] : memref<1xf32, #tpu.memory_space<smem>>
    %ge3A = arith.constant 0.000000e+00 : f32
    %ge3A_20 = vector.broadcast %ge3A : f32 to vector<400x128xf32>
    %ge3A_21 = arith.cmpf oge, %add3A_17, %ge3A_20 : vector<400x128xf32>
    %mul3A = vector.broadcast %get3A_19 : f32 to vector<400x128xf32>
    %mul3A_22 = arith.mulf %mul3A, %add3A_17 : vector<400x128xf32>
    %select_n3A = arith.select %ge3A_21, %add3A_17, %mul3A_22 : vector<400x128xi1>, vector<400x128xf32>
    %swap3A = arith.constant 0 : index
    %swap3A_23 = arith.constant 0 : index
    %swap3A_24 = vector.load %arg5[%swap3A, %swap3A_23] : memref<400x128xf32, #tpu.memory_space<vmem>>, vector<400x128xf32>
    tpu.vector_store %arg5[%swap3A, %swap3A_23], %select_n3A {strides = array<i32>} : memref<400x128xf32, #tpu.memory_space<vmem>>, vector<400x128xf32>,
    return
  }
  func.func @transform_0(%arg0: i32) -> (i32, i32, i32) {
    %c0_i32 = arith.constant 0 : i32
    %c0_i32_0 = arith.constant 0 : i32
    %c0_i32_1 = arith.constant 0 : i32
    return %c0_i32, %arg0, %c0_i32_0 : i32, i32, i32
  }
  func.func @transform_1(%arg0: i32) -> (i32, i32) {
    %c0_i32 = arith.constant 0 : i32
    %c0_i32_0 = arith.constant 0 : i32
    %c0_i32_1 = arith.constant 0 : i32
    return %c0_i32, %c0_i32_0 : i32, i32
  }
  func.func @transform_2(%arg0: i32) -> (i32, i32) {
    %c0_i32 = arith.constant 0 : i32
    %c0_i32_0 = arith.constant 0 : i32
    %c0_i32_1 = arith.constant 0 : i32
    return %c0_i32, %c0_i32_0 : i32, i32
  }
  func.func @transform_3(%arg0: i32) -> i32 {
    %c0_i32 = arith.constant 0 : i32
    %c0_i32_0 = arith.constant 0 : i32
    return %c0_i32 : i32
  }
  func.func @transform_4(%arg0: i32) -> (i32, i32) {
    %c0_i32 = arith.constant 0 : i32
    %c0_i32_0 = arith.constant 0 : i32
    return %arg0, %c0_i32 : i32, i32
  }
}

</mosaic_0001>

<sc_bundles>
// kernel: kernel.4.cloned.1.call-start
scs
__scs_entry_jumppad:
0x0: {  	(pc) =	sbr.rel $0x88, $3  }
0x1: {  	(tag) =	ssettag $0x0;
	lr =	simm.s32 $0x1  }
0x2: {  	[smem:$0x3F9B] =	sst lr;
	_ =	strace $0xD0000000  }
0x3: {  	_ = 	snop  }
0x4: {  	_ = 	snop  }
0x5: {  	_ = 	snop  }
0x6: {  	_ = 	snop  }
0x7: {  	_ = 	snop  }
__scs_overlays_trampoline_lowered:
0x8: {  	[smem:$0x3FAA] =	sst s0  }
0x9: {  	[smem:$0x3FAB] =	sst s1  }
0xa: {  	[smem:$0x3FAC] =	sst s2  }
0xb: {  	[smem:$0x3FAD] =	sst s3  }
0xc: {  	[smem:$0x3FAE] =	sst s4  }
0xd: {  	[smem:$0x3FAF] =	sst s5  }
0xe: {  	[smem:$0x3FB0] =	sst s6  }
0xf: {  	[smem:$0x3FB1] =	sst s7  }
0x10: {  	[smem:$0x3FB2] =	sst s8  }
0x11: {  	[smem:$0x3FB3] =	sst s9;
	s0 =	simm.s32 @!p0 $0x0  }
0x12: {  	s1 =	sld [smem:$0x3F99];
	s0 =	simm.s32 @p0 $0x1  }
0x13: {  	[smem:$0x3FB4] =	sst s0;
	s0 =	simm.s32 @!p1 $0x0  }
0x14: {  	s2 =	sld [smem:$0x3F98];
	s0 =	simm.s32 @p1 $0x1  }
0x15: {  	[smem:$0x3FB5] =	sst s0;
	s0 =	simm.s32 @!p2 $0x0  }
0x16: {  	s3 =	sld [smem:$0x3FDB];
	s0 =	simm.s32 @p2 $0x1  }
0x17: {  	s4 =	simm.s32 $0x1BF5;
	[smem:$0x3FB7] =	sst s0  }
0x18: {  	s0 =	sld [smem:$0x3F9A];
	_ =	swait.ge [sflag:s4], $0x0  }
0x19: {  	s7 =	sld [smem:$0x3F9B]  }
0x1a: {  	s8 =	sadd.s32 $0xFFFFE003, lr  }
0x1b: {  	s9 =	sadd.s32 $0xFFFFFEF7, lr;
	s5 =	simm.s32 $0xFFFFFFFF;
	p2 =	slt.u32 s8, $0xFFFFF086  }
0x1c: {  	p1 =	slt.u32 s9, $0xF7A;
	s5 =	simm.s32 @!p2 $0x0  }
0x1d: {  	s5 =	simm.s32 @p1 $0x1;
	p0 =	seq.s32 s7, s2  }
0x1e: {  	s7 =	smul.u32 @!p0 $0xF7A, s2;
	p2 =	seq.s32 @!p0 s5, $0x0  }
0x1f: {  	s9 =	smul.u32 $0xF7A, s1;
	s8 =	simm.s32 @!p0 $0x1BF5;
	p2 =	por !p2, p0  }
0x20: {  	[sflag:s8] =	ssyncset.s32 @!p0 $0xFFFFF086;
	s6 =	sadd.s32 @!p0 s3, s7;
	s7 =	simm.s32 @!p0 $0x108  }
0x21: {  	s3 =	sadd.s32 s3, s9;
	s6 =	sadd.s32 @!p0 $0x88, s6;
	s7 =	simm.s32 @p2 $0x1082  }
0x22: {  	[simem:s7], [sflag:s8] =	dma.local @!p0 [hbm:s6], $0xF7A  }
0x23: {  	s9 =	sor.u32 $0xD0000000, s2;
	s6 =	simm.s32 $0x108;
	_ =	swait.ge @!p0 [sflag:s8], $0x0  }
0x24: {  	s3 =	sadd.s32 $0x88, s3;
	s6 =	simm.s32 @!p1 $0x1082;
	[sflag:s4] =	ssyncset.s32 $0xFFFFF086  }
0x25: {  	[simem:s6], [sflag:s4] =	dma.local [hbm:s3], $0xF7A  }
0x26: {  	[smem:$0x3F9B] =	sst s1;
	(tag) =	ssettag s2;
	_ =	strace s9  }
0x27: {  	s1 =	sld [smem:$0x3FAB]  }
0x28: {  	s2 =	sld [smem:$0x3FAC]  }
0x29: {  	s4 =	sld [smem:$0x3FAE]  }
0x2a: {  	p0 =	seq.s32 s5, $0x0;
	s5 =	sld [smem:$0x3FAF]  }
0x2b: {  	s6 =	sld [smem:$0x3FB0]  }
0x2c: {  	s7 =	sld [smem:$0x3FB1]  }
0x2d: {  	s3 =	simm.s32 $0x108;
	s8 =	sld [smem:$0x3FB2]  }
0x2e: {  	s3 =	simm.s32 @!p0 $0x1082;
	s9 =	sld [smem:$0x3FB3]  }
0x2f: {  	lr =	sadd.s32 s0, s3;
	s0 =	sld [smem:$0x3FAA]  }
0x30: {  	s3 =	sld [smem:$0x3FAD]  }
0x31: {  	[smem:$0x3FB6] =	sst s10  }
0x32: {  	s10 =	sld [smem:$0x3FB4];
	_ =	sdelay $0x3  }
0x33: {  	p0 =	seq.s32 s10, $0x1;
	s10 =	sld [smem:$0x3FB6];
	_ =	sdelay $0x3  }
0x34: {  	[smem:$0x3FB6] =	sst s10  }
0x35: {  	s10 =	sld [smem:$0x3FB5];
	_ =	sdelay $0x3  }
0x36: {  	p1 =	seq.s32 s10, $0x1;
	s10 =	sld [smem:$0x3FB6];
	_ =	sdelay $0x3  }
0x37: {  	[smem:$0x3FB6] =	sst s10  }
0x38: {  	s10 =	sld [smem:$0x3FB7]  }
0x39: {  	_ = 	snop;
	(pc) =	sbr.ind lr, $3  }
0x3a: {  	_ = 	snop  }
0x3b: {  	_ = 	snop  }
0x3c: {  	p2 =	seq.s32 s10, $0x1;
	s10 =	sld [smem:$0x3FB6]  }
0x3d: {  	_ =	shalt  }
0x3e: {  	_ =	shalt  }
0x3f: {  	_ =	shalt  }
0x40: {  	_ =	shalt  }
0x41: {  	_ =	shalt  }
0x42: {  	_ =	shalt  }
0x43: {  	_ =	shalt  }
0x44: {  	_ =	shalt  }
0x45: {  	_ =	shalt  }
0x46: {  	_ =	shalt  }
0x47: {  	_ =	shalt  }
0x48: {  	_ =	shalt  }
0x49: {  	_ =	shalt  }
0x4a: {  	_ =	shalt  }
0x4b: {  	_ =	shalt  }
0x4c: {  	_ =	shalt  }
0x4d: {  	_ =	shalt  }
0x4e: {  	_ =	shalt  }
0x4f: {  	_ =	shalt  }
0x50: {  	_ =	shalt  }
0x51: {  	_ =	shalt  }
0x52: {  	_ =	shalt  }
0x53: {  	_ =	shalt  }
0x54: {  	_ =	shalt  }
0x55: {  	_ =	shalt  }
0x56: {  	_ =	shalt  }
0x57: {  	_ =	shalt  }
0x58: {  	_ =	shalt  }
0x59: {  	_ =	shalt  }
0x5a: {  	_ =	shalt  }
0x5b: {  	_ =	shalt  }
0x5c: {  	_ =	shalt  }
0x5d: {  	_ =	shalt  }
0x5e: {  	_ =	shalt  }
0x5f: {  	_ =	shalt  }
0x60: {  	_ =	shalt  }
0x61: {  	_ =	shalt  }
0x62: {  	_ =	shalt  }
0x63: {  	_ =	shalt  }
0x64: {  	_ =	shalt  }
0x65: {  	_ =	shalt  }
0x66: {  	_ =	shalt  }
0x67: {  	_ =	shalt  }
0x68: {  	_ =	shalt  }
0x69: {  	_ =	shalt  }
0x6a: {  	_ =	shalt  }
0x6b: {  	_ =	shalt  }
0x6c: {  	_ =	shalt  }
0x6d: {  	_ =	shalt  }
0x6e: {  	_ =	shalt  }
0x6f: {  	_ =	shalt  }
0x70: {  	_ =	shalt  }
0x71: {  	_ =	shalt  }
0x72: {  	_ =	shalt  }
0x73: {  	_ =	shalt  }
0x74: {  	_ =	shalt  }
0x75: {  	_ =	shalt  }
0x76: {  	_ =	shalt  }
0x77: {  	_ =	shalt  }
0x78: {  	_ =	shalt  }
0x79: {  	_ =	shalt  }
0x7a: {  	_ =	shalt  }
0x7b: {  	_ =	shalt  }
0x7c: {  	_ =	shalt  }
0x7d: {  	_ =	shalt  }
0x7e: {  	_ =	shalt  }
0x7f: {  	_ =	shalt  }
0x80: {  	_ =	shalt  }
0x81: {  	_ =	shalt  }
0x82: {  	_ =	shalt  }
0x83: {  	_ =	shalt  }
0x84: {  	_ =	shalt  }
0x85: {  	_ =	shalt  }
0x86: {  	_ =	shalt  }
0x87: {  	_ =	shalt  }
.Lfunc_end0:
.L_simem_size_0:
called_computation_lowered:
.L_overlay_start_0:
0x88: {  	s2 =	sld [smem:$0x3FD9]  }
0x89: {  	s3 =	sld [smem:$0x3FFE];
	_ =	sdelay $0x1  }
0x8a: {  	s1 =	srdreg.scid  }
0x8b: {  	s0 =	sand.u32 $0x1, s1  }
0x8c: {  	s17 =	sshll.u32 s0, $0xA;
	s2 =	sadd.s32 s3, s2  }
0x8d: {  	s2 =	sadd.s32 s2, s17  }
0x8e: {  	[smem:$0x3FC2] =	sst s2  }
0x8f: {  	_ = 	snop  }
0x90: {  	s2 =	sld [smem:$0x3FD0];
	(tm) =	ssettm $0x1  }
0x91: {  	s18 =	sld [smem:$0x3FFB];
	_ =	sdelay $0x3  }
0x92: {  	_ =	strace s18  }
0x93: {  	s3 =	sld [smem:$0x3FFC];
	_ =	sdelay $0x3  }
0x94: {  	_ =	strace s3  }
0x95: {  	s3 =	sld [smem:$0x3FFD];
	_ =	sdelay $0x3  }
0x96: {  	_ =	strace s3  }
0x97: {  	_ =	strace $0x8FFFFFFF  }
0x98: {  	s19 =	sld [smem:$0x3FDB];
	_ =	sdelay $0x1  }
0x99: {  	s4 =	simm.s32 $_scs_section_size  }
0x9a: {  	s5 =	simm.s32 $_size__tile_overlayer_lowered;
	s6 =	simm.s32 $_tile_overlayer_lowered  }
0x9b: {  	s22 =	simm.s32 $0x1BFF;
	s21 =	sshll.u32 s6, $0x1;
	s3 =	sadd.s32 s4, s19  }
0x9c: {  	s7 =	simm.s32 $0x0;
	s20 =	sshll.u32 s5, $0x1;
	s5 =	sadd.s32 s21, s3  }
0x9d: {  	[timem:s7], [sflag:s22] =	dma.local [hbm:s5], s20  }
0x9e: {  	_ =	swait.ge [sflag:s22], s20  }
0x9f: {  	s4 =	ssub.s32 $0x0, s20;
	[sflag:s22] =	ssyncset.done $0x0  }
0xa0: {  	[sflag:s22] =	ssyncadd.s32 s4;
	_ =	sdelay $0x1  }
0xa1: {  	s23 =	simm.s32 $0x1B8B  }
0xa2: {  	_ =	swait.ge [sflag:s23], $0x1  }
0xa3: {  	[sflag:s23] =	ssyncset.done $0x0  }
0xa4: {  	s25 =	simm.s32 $0x1B8E;
	s24 =	sld [smem:$0x3FFE];
	[sflag:s23] =	ssyncadd.s32 $0xFFFFFFFF  }
0xa5: {  	s26 =	simm.s32 $execute0_lowered;
	[smem:$0x3FD2] =	sst s25  }
0xa6: {  	s5 =	sshll.u32 s26, $0x1;
	_ =	strace $0x80000046;
	[dreg:$0x1] =	wrdreg $0xFFFFFFFF  }
0xa7: {  	s28 =	simm.s32 $_size_execute0_lowered;
	s3 =	sadd.s32 s3, s5;
	[dreg:$0x0] =	wrdreg $0x0  }
0xa8: {  	s5 =	sshll.u32 s28, $0x1;
	[dreg:$0x2] =	wrdreg s3  }
0xa9: {  	[dreg:$0x3] =	wrdreg s5  }
0xaa: {  	[dreg:$0x4] =	wrdreg $0xC0  }
0xab: {  	_ =	task [dreg:s7], $0x5FFFF  }
0xac: {  	[dreg:$0x1] =	wrdreg $0xFFFFFFFF  }
0xad: {  	[dreg:$0x0] =	wrdreg $0x60  }
0xae: {  	[dreg:$0x2] =	wrdreg s2  }
0xaf: {  	[dreg:$0x3] =	wrdreg s24  }
0xb0: {  	[dreg:$0x4] =	wrdreg $0x68000  }
0xb1: {  	[dreg:$0x5] =	wrdreg $0x9  }
0xb2: {  	_ =	task.clear_ibuf [dreg:s7], $0x6FFFF;
	_ =	strace $0x90000046  }
0xb3: {  	s29 =	simm.s32 $0x9;
	_ =	strace $0x80000048  }
0xb4: {  	_ =	swait.ge [sflag:s29], $0x1  }
0xb5: {  	[sflag:s29] =	ssyncadd.s32 $0xFFFFFFFF  }
0xb6: {  	_ =	strace $0x90000048  }
0xb7: {  	_ =	sfence  }
0xb8: {  	s30 =	sld [smem:$0x0];
	_ =	sdelay $0x2  }
0xb9: {  	s31 =	sshll.u32 s1, $0xD;
	s1 =	sshrl.u32 s1, $0x2  }
0xba: {  	s3 =	sand.u32 $0x4000, s31;
	s1 =	sadd.s32 s1, s30  }
0xbb: {  	s0 =	sor.u32 s3, s0;
	s1 =	sshll.u32 s1, $0x11  }
0xbc: {  	s0 =	sor.u32 s1, s0  }
0xbd: {  	s0 =	sadd.s32 $0x8F2B, s0  }
0xbe: {  	[sflag:s0] =	ssyncadd.remote.s32 $0x1  }
0xbf: {  	_ =	sfence.sel $0xFFFF  }
0xc0: {  	[dreg:$0x0] =	wrdreg $0xFFFFFFFF;
	(pc) =	sbr.abs _section_cstart, $3  }
0xc1: {  	[dreg:$0x1] =	wrdreg $0xFFFFFFFF  }
0xc2: {  	_ =	task.clear_ibuf [dreg:s7], $0x2FFFF;
	_ =	strace $0x9FFFFFFF  }
0xc3: {  	(tm) =	ssettm $0x7FFFFFFF  }
tec
execute0_lowered:
.L_overlay_start_1:
0x0: {  	(tag) =	ssettag $0x1  }
0x1: {  	s1 =	rddreg [dreg:$0x0]  }
0x2: {  	s0 =	srdreg.scid;
	s5 =	rddreg [dreg:$0x1]  }
0x3: {  	s6 =	rddreg [dreg:$0x2];
	s3 =	simm.s32 $0x0;
	s13 =	simm.s32 $0x4800  }
0x4: {  	s14 =	simm.s32 $0x1;
	s4 =	sand.u32 $0x1, s0;
	s0 =	stileid.u32  }
0x5: {  	s15 =	simm.s32 $0x2;
	s16 =	simm.s32 $0x0;
	s8 =	smul.u32 $0x13C00, s0  }
0x6: {  	[smem:$0x7FF] =	sst s3;
	s2 =	sshll.u32 s4, $0x4;
	s9 =	smul.u32 $0x13C000, s4  }
0x7: {  	s4 =	ssub.s32 $0x2, s4;
	s31 =	sshll.u32 s0, $0x6;
	s2 =	sor.u32 s0, s2  }
0x8: {  	s11 =	sshrl.u32 s4, $0x1;
	s7 =	smul.u32 $0x500, s2;
	s2 =	rddreg [dreg:$0x3]  }
0x9: {  	_ =	strace $0x80000047;
	s9 =	sadd.s32 s8, s9;
	s10 =	sshrl.u32 s8, $0x3  }
0xa: {  	s11 =	ssub.s32 s4, s11;
	s12 =	sadd.s32 s8, s6;
	s9 =	sshrl.u32 s9, $0x3  }
0xb: {  	s10 =	sadd.s32 s10, s5;
	s8 =	smax.u32 s11, $0x1;
	s11 =	simm.s32 $0x80  }
0xc: {  	s7 =	sadd.s32 s7, s5;
	s9 =	sadd.s32 s9, s5;
	s4 =	sadd.s32 $0x1E000, s10  }
0xd: {  	s5 =	sor.u32 $0x1C03, s31;
	s10 =	simm.s32 $0x3;
	s6 =	sadd.s32 $0xA000, s7  }
0xe: {  	s7 =	sadd.s32 $0x45800, s9;
	s9 =	sshrl.u32 s12, $0x3;
	s12 =	simm.s32 $0x2800  }
.LBB2_1:
0xf: {  	[spmem:s9], [sflag:s5] =	dma.local [hbm:s4], $0x2780  }
0x10: {  	_ =	swait.ge [sflag:s10], $0x2780  }
0x11: {  	[sflag:s10] =	ssyncset.done $0x0  }
0x12: {  	[sflag:s10] =	ssyncadd.s32 $0xFFFFD880  }
0x13: {  	[bflag:$0x0] =	sbarrier.arrive $0xFFFF  }
0x14: {  	[tilespmem:s3], [sflag:$0x3] =	stream.linear.gather [hbm4b:s6+s3], $0x2800, $0x38;
	[tilespmem:$0x1A400] =	vst v63  }
0x15: {  	_ =	swait.ge [sflag:s10], $0x2800  }
0x16: {  	[sflag:s10] =	ssyncset.done $0x0  }
0x17: {  	[sflag:s10] =	ssyncadd.s32 $0xFFFFD800  }
0x18: {  	[tilespmem:s12], [sflag:$0x1] =	stream.indirect.gather [hbm4b:s1+s11], $0x40, s3, s11, $0xb8;
	[tilespmem:$0x1A400] =	vst v63  }
0x19: {  	_ = 	snop  }
0x1a: {  	[tilespmem:s13], [sflag:$0x2] =	stream.indirect.gather [hbm4b:s1+s11], $0x40, s11, s11, $0xb8;
	[tilespmem:$0x1A400] =	vst v63  }
0x1b: {  	_ =	swait.ge [sflag:s14], $0x2000  }
0x1c: {  	[sflag:s14] =	ssyncset.done $0x0  }
0x1d: {  	s17 =	simm.s32 $0x100;
	[sflag:s14] =	ssyncadd.s32 $0xFFFFE000  }
0x1e: {  	[tilespmem:s12], [sflag:$0x1] =	stream.indirect.gather [hbm4b:s1+s11], $0x40, s17, s11, $0xb8;
	[tilespmem:$0x1A400] =	vst v63  }
0x1f: {  	_ =	swait.ge [sflag:s15], $0x2000  }
0x20: {  	[sflag:s15] =	ssyncset.done $0x0  }
0x21: {  	s18 =	simm.s32 $0x180;
	s17 =	simm.s32 $0xFFFF6800;
	[sflag:s15] =	ssyncadd.s32 $0xFFFFE000  }
.LBB2_2:
0x22: {  	[tilespmem:s13], [sflag:$0x2] =	stream.indirect.gather [hbm4b:s1+s11], $0x40, s18, s11, $0xb8;
	[tilespmem:$0x1A400] =	vst v63  }
0x23: {  	s18 =	smov.u32 s17  }
0x24: {  	p0 =	sne.s32 s17, $0xFFFFFC00;
	s17 =	sadd.s32 $0x400, s17;
	_ =	swait.ge [sflag:s14], $0x2000  }
0x25: {  	s18 =	sshra.s32 s18, $0x2;
	[sflag:s14] =	ssyncset.done $0x0  }
.Ltmp0:
0x26: {  	s19 =	sadd.s32 $0x2800, s18;
	[sflag:s14] =	ssyncadd.s32 $0xFFFFE000;
	(pc) =	sbr.rel @p0 .LBB2_2-.Ltmp0, $4  }
0x27: {  	[tilespmem:s12], [sflag:$0x1] =	stream.indirect.gather [hbm4b:s1+s11], $0x40, s19, s11, $0xb8;
	[tilespmem:$0x1A400] =	vst v63  }
0x28: {  	_ =	swait.ge [sflag:s15], $0x2000  }
0x29: {  	[sflag:s15] =	ssyncset.done $0x0  }
0x2a: {  	s18 =	sadd.s32 $0x2880, s18;
	[sflag:s15] =	ssyncadd.s32 $0xFFFFE000  }
0x2b: {  	[tilespmem:s13], [sflag:$0x2] =	stream.indirect.gather [hbm4b:s1+s11], $0x40, s18, s11, $0xb8;
	[tilespmem:$0x1A400] =	vst v63  }
0x2c: {  	_ =	swait.ge [sflag:s14], $0x2000  }
0x2d: {  	[sflag:s14] =	ssyncset.done $0x0  }
0x2e: {  	[sflag:s14] =	ssyncadd.s32 $0xFFFFE000  }
0x2f: {  	_ =	swait.ge [sflag:s15], $0x2000  }
0x30: {  	s16 =	sadd.s32 $0x1, s16;
	[sflag:s15] =	ssyncset.done $0x0  }
0x31: {  	p0 =	sne.s32 s16, s8;
	[sflag:s15] =	ssyncadd.s32 $0xFFFFE000  }
.Ltmp1:
0x32: {  	[bflag:$0x0] =	sbarrier.arrive $0xFFFF;
	(pc) =	sbr.rel @p0 .LBB2_1-.Ltmp1, $4  }
0x33: {  	[hbm:s7], [sflag:s5] =	dma.local [spmem:s9], $0x2780  }
0x34: {  	_ =	swait.ge [sflag:s10], $0x2780  }
0x35: {  	[sflag:s10] =	ssyncset.done $0x0  }
0x36: {  	[sflag:s10] =	ssyncadd.s32 $0xFFFFD880  }
0x37: {  	_ =	sfence.sel $0x180000  }
0x38: {  	[bflag:$0x0] =	sbarrier.arrive $0xFFFF  }
0x39: {  	p0 =	sne.s32 s0, $0x0;
	_ =	strace $0x90000047  }
0x3a: {  	s0 =	sadd.s32 @!p0 $0x100000, s2;
	[bflag:$0x2] =	sbarrier.arrive $0xFFFF  }
0x3b: {  	[sflag:s0] =	ssyncadd.tile.s32 @!p0 $0x1;
	_ =	shalt  }
.Lfunc_end2:
_tile_overlayer_lowered:
.L_overlay_start_2:
0x3c: {  	(tag) =	ssettag $0x2  }
0x3d: {  	s0 =	rddreg [dreg:$0x0];
	s2 =	stileid.u32  }
0x3e: {  	s1 =	rddreg [dreg:$0x1];
	p0 =	sne.s32 s2, $0x0  }
0x3f: {  	s3 =	rddreg [dreg:$0x2];
	[bflag:$0x3] =	sbarrier.arrive $0xFFFF;
	s2 =	simm.s32 @!p0 $0x1C03  }
0x40: {  	[timem:s3], [sflag:s2] =	dma.local @!p0 [hbm:s0], s1  }
0x41: {  	s0 =	simm.s32 @!p0 $0x3  }
0x42: {  	_ =	swait.ge @!p0 [sflag:s0], s1  }
0x43: {  	s1 =	ssub.s32 @!p0 $0x0, s1;
	[sflag:s0] =	ssyncset.done @!p0 $0x0  }
0x44: {  	[sflag:s0] =	ssyncadd.s32 @!p0 s1  }
0x45: {  	[bflag:$0x3] =	sbarrier.arrive $0xFFFF  }
0x46: {  	_ =	shalt  }

</sc_bundles>
